<compile_context>
chip_gen: v7x
topology: tpu7x:2x2x1
jax: 0.10.2.dev20260603
libtpu: 0.0.44.dev20260713+nightly
codegen_flags: <defaults>
</compile_context>

<pallas_src>
import jax
import jax.numpy as jnp
from jax import lax
from jax.experimental import pallas as pl
from jax.experimental.pallas import tpu as pltpu
from jax.experimental.pallas import tpu_sc as plsc

N = 500000
V = 100
D = 128
NC = 2
NS = 16
NW = NC * NS
C = 504
K_MAIN = 992
ITERS = K_MAIN // NW
CT = 32
TAIL_BASE = K_MAIN * C


def _embed_body(emb_hbm, z_hbm, out_hbm, table_sp,
                idx0, idx1, rows0, rows1,
                sem_g, sem_i0, sem_i1, sem_o0, sem_o1):
    cid = lax.axis_index("c")
    sid = lax.axis_index("s")
    wid = sid * NC + cid

    pltpu.async_copy(z_hbm.at[pl.ds(wid * C, C)], idx0, sem_i0)
    pltpu.async_copy(z_hbm.at[pl.ds((wid + NW) * C, C)], idx1, sem_i1)

    @pl.when(sid == 0)
    def _():
        pltpu.sync_copy(emb_hbm, table_sp)

    plsc.subcore_barrier()

    def do_iter(i, idx_v, rows_v, sem_i, sem_o):
        k = wid + i * NW

        pltpu.make_async_copy(z_hbm.at[pl.ds(0, C)], idx_v, sem_i).wait()

        @pl.when(i >= 2)
        def _():
            pltpu.make_async_copy(
                rows_v, out_hbm.at[pl.ds(0, C)], sem_o).wait()

        pltpu.async_copy(table_sp.at[idx_v], rows_v, sem_g)
        pltpu.make_async_copy(table_sp.at[idx_v], rows_v, sem_g).wait()

        pltpu.async_copy(rows_v, out_hbm.at[pl.ds(k * C, C)], sem_o)

        @pl.when(i + 2 < ITERS)
        def _():
            pltpu.async_copy(
                z_hbm.at[pl.ds((k + 2 * NW) * C, C)], idx_v, sem_i)

    def loop_body(i2, carry):
        do_iter(2 * i2, idx0, rows0, sem_i0, sem_o0)
        do_iter(2 * i2 + 1, idx1, rows1, sem_i1, sem_o1)
        return carry

    lax.fori_loop(0, ITERS // 2, loop_body, 0)

    do_iter(ITERS - 1, idx0, rows0, sem_i0, sem_o0)

    @pl.when(wid < 1)
    def _():
        base = TAIL_BASE + wid * CT
        pltpu.async_copy(
            z_hbm.at[pl.ds(base, CT)], idx1.at[pl.ds(0, CT)], sem_i1)
        pltpu.make_async_copy(
            z_hbm.at[pl.ds(0, CT)], idx1.at[pl.ds(0, CT)], sem_i1).wait()
        pltpu.make_async_copy(
            rows1, out_hbm.at[pl.ds(0, C)], sem_o1).wait()
        pltpu.async_copy(
            table_sp.at[idx1.at[pl.ds(0, CT)]],
            rows1.at[pl.ds(0, CT)], sem_g)
        pltpu.make_async_copy(
            table_sp.at[idx1.at[pl.ds(0, CT)]],
            rows1.at[pl.ds(0, CT)], sem_g).wait()
        pltpu.async_copy(
            rows1.at[pl.ds(0, CT)], out_hbm.at[pl.ds(base, CT)], sem_o1)
        pltpu.make_async_copy(
            rows1.at[pl.ds(0, CT)], out_hbm.at[pl.ds(base, CT)], sem_o1).wait()

    @pl.when(jnp.logical_not(wid < 1))
    def _():
        pltpu.make_async_copy(
            rows1, out_hbm.at[pl.ds(0, C)], sem_o1).wait()

    pltpu.make_async_copy(rows0, out_hbm.at[pl.ds(0, C)], sem_o0).wait()


_mesh = plsc.VectorSubcoreMesh(
    core_axis_name="c", subcore_axis_name="s", num_cores=NC, num_subcores=NS
)

_embed = pl.kernel(
    _embed_body,
    out_type=jax.ShapeDtypeStruct((N, D), jnp.float32),
    mesh=_mesh,
    scratch_types=[
        pltpu.VMEM_SHARED((V, D), jnp.float32),
        pltpu.VMEM((C,), jnp.int32),
        pltpu.VMEM((C,), jnp.int32),
        pltpu.VMEM((C, D), jnp.float32),
        pltpu.VMEM((C, D), jnp.float32),
        pltpu.SemaphoreType.DMA,
        pltpu.SemaphoreType.DMA,
        pltpu.SemaphoreType.DMA,
        pltpu.SemaphoreType.DMA,
        pltpu.SemaphoreType.DMA,
    ],
)


@jax.jit
def kernel(dR, Z, embeddings):
    del dR
    return _embed(embeddings, Z.astype(jnp.int32))

# --- scband reference (transcript-rebuilt; emitter-appended) ---
"""Pipeline reference for scband-schnax-48919677501478 (READ-ONLY COPY).

The authoritative reference and input builder live on the scoring server;
editing this copy changes nothing except your own understanding.
"""

import jax, jax.numpy as jnp
import numpy as np

N_ATOMS = 500000
MAX_Z = 100
N_ATOM_BASIS = 128

def setup_inputs(seed: int = 0) -> dict:
    key = jax.random.key(seed)
    k1, k2, k3 = jax.random.split(key, 3)
    dR = jax.random.normal(k1, (N_ATOMS, 3), dtype=jnp.float32)
    Z = jax.random.randint(k2, (N_ATOMS,), 0, MAX_Z, dtype=jnp.int64)
    # hk.Embed default initializer: truncated normal with stddev 1/sqrt(vocab_size)
    embeddings = jax.random.truncated_normal(k3, -2.0, 2.0, (MAX_Z, N_ATOM_BASIS), dtype=jnp.float32) / jnp.sqrt(MAX_Z)
    return {"dR": dR, "Z": Z, "embeddings": embeddings}

def reference(dR, Z, embeddings):
    # Schnax.__call__: x = self.embedding(Z); return x  (dR unused)
    x = jnp.take(embeddings, Z, axis=0)
    return x

if __name__ == "__main__":
    import jax
    _d = setup_inputs()
    print(jax.jit(kernel)(*tuple(_d.values())))

</pallas_src>

<mosaic_0001>
#map = affine_map<(d0, d1) -> (0, 0)>
#map1 = affine_map<(d0, d1) -> (0)>
module attributes {stable_mosaic.version = 14 : i64} {
  func.func @_embed_body(%arg0: i32, %arg1: i32, %arg2: memref<100x128xf32, #tpu.memory_space<hbm>>, %arg3: memref<500000xi32, #tpu.memory_space<hbm>>, %arg4: memref<500000x128xf32, #tpu.memory_space<hbm>>, %arg5: memref<100x128xf32, #tpu.memory_space<vmem_shared>>, %arg6: memref<504xi32, #tpu.memory_space<vmem>>, %arg7: memref<504xi32, #tpu.memory_space<vmem>>, %arg8: memref<504x128xf32, #tpu.memory_space<vmem>>, %arg9: memref<504x128xf32, #tpu.memory_space<vmem>>, %arg10: memref<!tpu.dma_semaphore, #tpu.memory_space<semaphore_mem>>, %arg11: memref<!tpu.dma_semaphore, #tpu.memory_space<semaphore_mem>>, %arg12: memref<!tpu.dma_semaphore, #tpu.memory_space<semaphore_mem>>, %arg13: memref<!tpu.dma_semaphore, #tpu.memory_space<semaphore_mem>>, %arg14: memref<!tpu.dma_semaphore, #tpu.memory_space<semaphore_mem>>) attributes {dimension_semantics = [#tpu.dimension_semantics<core_parallel>, #tpu.dimension_semantics<subcore_parallel>], iteration_bounds = array<i64: 2, 16>, scalar_prefetch = 0 : i64, scratch_operands = 10 : i64, tpu.core_type = #tpu.core_type<sc_vector_subcore>, window_params = [{transform_indices = #map}, {transform_indices = #map1}, {transform_indices = #map}]} {
    %mul3A = arith.constant 2 : i32
    %mul3A_0 = arith.muli %arg1, %mul3A : i32
    %add3A = arith.addi %mul3A_0, %arg0 : i32
    %mul3A_1 = arith.constant 504 : i32
    %mul3A_2 = arith.muli %add3A, %mul3A_1 : i32
    %dma_start3A = tpu.memref_slice %arg3[%mul3A_2] : memref<500000xi32, #tpu.memory_space<hbm>> -> memref<504xi32, #tpu.memory_space<hbm>>
    %dma_start3A_3 = tpu.memref_slice %arg3[%mul3A_2] : memref<500000xi32, #tpu.memory_space<hbm>> -> memref<504xi32, #tpu.memory_space<hbm>>
    tpu.enqueue_dma source(%dma_start3A_3 : memref<504xi32, #tpu.memory_space<hbm>>) target(%arg6 : memref<504xi32, #tpu.memory_space<vmem>>) target_semaphore(%arg11 : memref<!tpu.dma_semaphore, #tpu.memory_space<semaphore_mem>>)
    %add3A_4 = arith.constant 32 : i32
    %add3A_5 = arith.addi %add3A, %add3A_4 : i32
    %mul3A_6 = arith.constant 504 : i32
    %mul3A_7 = arith.muli %add3A_5, %mul3A_6 : i32
    %dma_start3A_8 = tpu.memref_slice %arg3[%mul3A_7] : memref<500000xi32, #tpu.memory_space<hbm>> -> memref<504xi32, #tpu.memory_space<hbm>>
    %dma_start3A_9 = tpu.memref_slice %arg3[%mul3A_7] : memref<500000xi32, #tpu.memory_space<hbm>> -> memref<504xi32, #tpu.memory_space<hbm>>
    tpu.enqueue_dma source(%dma_start3A_9 : memref<504xi32, #tpu.memory_space<hbm>>) target(%arg7 : memref<504xi32, #tpu.memory_space<vmem>>) target_semaphore(%arg12 : memref<!tpu.dma_semaphore, #tpu.memory_space<semaphore_mem>>)
    %eq3A = arith.constant 0 : i32
    %eq3A_10 = arith.cmpi eq, %arg1, %eq3A : i32
    %convert_element_type3A = arith.extui %eq3A_10 : i1 to i32
    %cond3A = arith.constant 0 : i32
    %cond3A_11 = arith.cmpi ne, %convert_element_type3A, %cond3A : i32
    scf.if %cond3A_11 {
      "tpu.region"() ({
        %run_scoped3A = tpu.sem_alloc : memref<!tpu.dma_semaphore, #tpu.memory_space<semaphore_mem>>
        tpu.enqueue_dma source(%arg2 : memref<100x128xf32, #tpu.memory_space<hbm>>) target(%arg5 : memref<100x128xf32, #tpu.memory_space<vmem_shared>>) target_semaphore(%run_scoped3A : memref<!tpu.dma_semaphore, #tpu.memory_space<semaphore_mem>>)
        tpu.wait_dma2 semaphore(%run_scoped3A : memref<!tpu.dma_semaphore, #tpu.memory_space<semaphore_mem>>) src(%arg2 : memref<100x128xf32, #tpu.memory_space<hbm>>) dst(%arg5 : memref<100x128xf32, #tpu.memory_space<vmem_shared>>)
        tpu.yield
      }) : () -> ()
    } else {
    }
    %barrier3A = arith.constant 0 : index
    tpu.barrier barrier_id(%barrier3A)
    %scan3A = arith.constant 0 : i32
    %scan3A_12 = arith.constant 0 : i32
    %scan3A_13 = arith.constant 15 : i32
    %scan3A_14 = arith.addi %scan3A_12, %scan3A_13 : i32
    %scan3A_15 = arith.constant 1 : i32
    scf.for %scan3A_56 = %scan3A_12 to %scan3A_14 step %scan3A_15  : i32 {
      %mul3A_57 = arith.constant 2 : i32
      %mul3A_58 = arith.muli %mul3A_57, %scan3A_56 : i32
      %mul3A_59 = arith.constant 32 : i32
      %mul3A_60 = arith.muli %mul3A_58, %mul3A_59 : i32
      %add3A_61 = arith.addi %add3A, %mul3A_60 : i32
      %dma_wait3A_62 = arith.constant 0 : i32
      %dma_wait3A_63 = tpu.memref_slice %arg3[%dma_wait3A_62] : memref<500000xi32, #tpu.memory_space<hbm>> -> memref<504xi32, #tpu.memory_space<hbm>>
      %dma_wait3A_64 = arith.constant 0 : i32
      %dma_wait3A_65 = tpu.memref_slice %arg3[%dma_wait3A_64] : memref<500000xi32, #tpu.memory_space<hbm>> -> memref<504xi32, #tpu.memory_space<hbm>>
      tpu.wait_dma2 semaphore(%arg11 : memref<!tpu.dma_semaphore, #tpu.memory_space<semaphore_mem>>) src(%dma_wait3A_65 : memref<504xi32, #tpu.memory_space<hbm>>) dst(%arg6 : memref<504xi32, #tpu.memory_space<vmem>>)
      %ge3A = arith.constant 2 : i32
      %ge3A_66 = arith.cmpi sge, %mul3A_58, %ge3A : i32
      %convert_element_type3A_67 = arith.extui %ge3A_66 : i1 to i32
      %cond3A_68 = arith.constant 0 : i32
      %cond3A_69 = arith.cmpi ne, %convert_element_type3A_67, %cond3A_68 : i32
      scf.if %cond3A_69 {
        %dma_wait3A_124 = arith.constant 0 : i32
        %dma_wait3A_125 = arith.constant 0 : i32
        %dma_wait3A_126 = tpu.memref_slice %arg4[%dma_wait3A_124, %dma_wait3A_125] : memref<500000x128xf32, #tpu.memory_space<hbm>> -> memref<504x128xf32, #tpu.memory_space<hbm>>
        %dma_wait3A_127 = arith.constant 0 : i32
        %dma_wait3A_128 = arith.constant 0 : i32
        %dma_wait3A_129 = tpu.memref_slice %arg4[%dma_wait3A_127, %dma_wait3A_128] : memref<500000x128xf32, #tpu.memory_space<hbm>> -> memref<504x128xf32, #tpu.memory_space<hbm>>
        tpu.wait_dma2 semaphore(%arg13 : memref<!tpu.dma_semaphore, #tpu.memory_space<semaphore_mem>>) src(%arg8 : memref<504x128xf32, #tpu.memory_space<vmem>>) dst(%dma_wait3A_129 : memref<504x128xf32, #tpu.memory_space<hbm>>)
      } else {
      }
      %dma_start3A_70 = arith.constant 0 : i32
      %dma_start3A_71 = arith.constant 0 : i32
      %dma_start3A_72 = tpu.memref_slice %arg5[%dma_start3A_70, %dma_start3A_71] : memref<100x128xf32, #tpu.memory_space<vmem_shared>> -> memref<100x128xf32, #tpu.memory_space<vmem_shared>>
      tpu.enqueue_indirect_dma source(%dma_start3A_72 : memref<100x128xf32, #tpu.memory_space<vmem_shared>>) target(%arg8 : memref<504x128xf32, #tpu.memory_space<vmem>>) offsets(%arg6 : memref<504xi32, #tpu.memory_space<vmem>>) semaphore(%arg10 : memref<!tpu.dma_semaphore, #tpu.memory_space<semaphore_mem>>)
      %dma_wait3A_73 = arith.constant 0 : i32
      %dma_wait3A_74 = arith.constant 0 : i32
      %dma_wait3A_75 = tpu.memref_slice %arg5[%dma_wait3A_73, %dma_wait3A_74] : memref<100x128xf32, #tpu.memory_space<vmem_shared>> -> memref<100x128xf32, #tpu.memory_space<vmem_shared>>
      tpu.wait_indirect_dma semaphore(%arg10 : memref<!tpu.dma_semaphore, #tpu.memory_space<semaphore_mem>>) src(%dma_wait3A_75 : memref<100x128xf32, #tpu.memory_space<vmem_shared>>) dst(%arg8 : memref<504x128xf32, #tpu.memory_space<vmem>>)
      %mul3A_76 = arith.constant 504 : i32
      %mul3A_77 = arith.muli %add3A_61, %mul3A_76 : i32
      %dma_start3A_78 = arith.constant 0 : i32
      %dma_start3A_79 = tpu.memref_slice %arg4[%mul3A_77, %dma_start3A_78] : memref<500000x128xf32, #tpu.memory_space<hbm>> -> memref<504x128xf32, #tpu.memory_space<hbm>>
      %dma_start3A_80 = arith.constant 0 : i32
      %dma_start3A_81 = tpu.memref_slice %arg4[%mul3A_77, %dma_start3A_80] : memref<500000x128xf32, #tpu.memory_space<hbm>> -> memref<504x128xf32, #tpu.memory_space<hbm>>
      tpu.enqueue_dma source(%arg8 : memref<504x128xf32, #tpu.memory_space<vmem>>) target(%dma_start3A_81 : memref<504x128xf32, #tpu.memory_space<hbm>>) target_semaphore(%arg13 : memref<!tpu.dma_semaphore, #tpu.memory_space<semaphore_mem>>)
      %add3A_82 = arith.constant 2 : i32
      %add3A_83 = arith.addi %mul3A_58, %add3A_82 : i32
      %lt3A_84 = arith.constant 31 : i32
      %lt3A_85 = arith.cmpi slt, %add3A_83, %lt3A_84 : i32
      %convert_element_type3A_86 = arith.extui %lt3A_85 : i1 to i32
      %cond3A_87 = arith.constant 0 : i32
      %cond3A_88 = arith.cmpi ne, %convert_element_type3A_86, %cond3A_87 : i32
      scf.if %cond3A_88 {
        %add3A_124 = arith.constant 64 : i32
        %add3A_125 = arith.addi %add3A_61, %add3A_124 : i32
        %mul3A_126 = arith.constant 504 : i32
        %mul3A_127 = arith.muli %add3A_125, %mul3A_126 : i32
        %dma_start3A_128 = tpu.memref_slice %arg3[%mul3A_127] : memref<500000xi32, #tpu.memory_space<hbm>> -> memref<504xi32, #tpu.memory_space<hbm>>
        %dma_start3A_129 = tpu.memref_slice %arg3[%mul3A_127] : memref<500000xi32, #tpu.memory_space<hbm>> -> memref<504xi32, #tpu.memory_space<hbm>>
        tpu.enqueue_dma source(%dma_start3A_129 : memref<504xi32, #tpu.memory_space<hbm>>) target(%arg6 : memref<504xi32, #tpu.memory_space<vmem>>) target_semaphore(%arg11 : memref<!tpu.dma_semaphore, #tpu.memory_space<semaphore_mem>>)
      } else {
      }
      %mul3A_89 = arith.constant 2 : i32
      %mul3A_90 = arith.muli %mul3A_89, %scan3A_56 : i32
      %add3A_91 = arith.constant 1 : i32
      %add3A_92 = arith.addi %mul3A_90, %add3A_91 : i32
      %mul3A_93 = arith.constant 32 : i32
      %mul3A_94 = arith.muli %add3A_92, %mul3A_93 : i32
      %add3A_95 = arith.addi %add3A, %mul3A_94 : i32
      %dma_wait3A_96 = arith.constant 0 : i32
      %dma_wait3A_97 = tpu.memref_slice %arg3[%dma_wait3A_96] : memref<500000xi32, #tpu.memory_space<hbm>> -> memref<504xi32, #tpu.memory_space<hbm>>
      %dma_wait3A_98 = arith.constant 0 : i32
      %dma_wait3A_99 = tpu.memref_slice %arg3[%dma_wait3A_98] : memref<500000xi32, #tpu.memory_space<hbm>> -> memref<504xi32, #tpu.memory_space<hbm>>
      tpu.wait_dma2 semaphore(%arg12 : memref<!tpu.dma_semaphore, #tpu.memory_space<semaphore_mem>>) src(%dma_wait3A_99 : memref<504xi32, #tpu.memory_space<hbm>>) dst(%arg7 : memref<504xi32, #tpu.memory_space<vmem>>)
      %ge3A_100 = arith.constant 2 : i32
      %ge3A_101 = arith.cmpi sge, %add3A_92, %ge3A_100 : i32
      %convert_element_type3A_102 = arith.extui %ge3A_101 : i1 to i32
      %cond3A_103 = arith.constant 0 : i32
      %cond3A_104 = arith.cmpi ne, %convert_element_type3A_102, %cond3A_103 : i32
      scf.if %cond3A_104 {
        %dma_wait3A_124 = arith.constant 0 : i32
        %dma_wait3A_125 = arith.constant 0 : i32
        %dma_wait3A_126 = tpu.memref_slice %arg4[%dma_wait3A_124, %dma_wait3A_125] : memref<500000x128xf32, #tpu.memory_space<hbm>> -> memref<504x128xf32, #tpu.memory_space<hbm>>
        %dma_wait3A_127 = arith.constant 0 : i32
        %dma_wait3A_128 = arith.constant 0 : i32
        %dma_wait3A_129 = tpu.memref_slice %arg4[%dma_wait3A_127, %dma_wait3A_128] : memref<500000x128xf32, #tpu.memory_space<hbm>> -> memref<504x128xf32, #tpu.memory_space<hbm>>
        tpu.wait_dma2 semaphore(%arg14 : memref<!tpu.dma_semaphore, #tpu.memory_space<semaphore_mem>>) src(%arg9 : memref<504x128xf32, #tpu.memory_space<vmem>>) dst(%dma_wait3A_129 : memref<504x128xf32, #tpu.memory_space<hbm>>)
      } else {
      }
      %dma_start3A_105 = arith.constant 0 : i32
      %dma_start3A_106 = arith.constant 0 : i32
      %dma_start3A_107 = tpu.memref_slice %arg5[%dma_start3A_105, %dma_start3A_106] : memref<100x128xf32, #tpu.memory_space<vmem_shared>> -> memref<100x128xf32, #tpu.memory_space<vmem_shared>>
      tpu.enqueue_indirect_dma source(%dma_start3A_107 : memref<100x128xf32, #tpu.memory_space<vmem_shared>>) target(%arg9 : memref<504x128xf32, #tpu.memory_space<vmem>>) offsets(%arg7 : memref<504xi32, #tpu.memory_space<vmem>>) semaphore(%arg10 : memref<!tpu.dma_semaphore, #tpu.memory_space<semaphore_mem>>)
      %dma_wait3A_108 = arith.constant 0 : i32
      %dma_wait3A_109 = arith.constant 0 : i32
      %dma_wait3A_110 = tpu.memref_slice %arg5[%dma_wait3A_108, %dma_wait3A_109] : memref<100x128xf32, #tpu.memory_space<vmem_shared>> -> memref<100x128xf32, #tpu.memory_space<vmem_shared>>
      tpu.wait_indirect_dma semaphore(%arg10 : memref<!tpu.dma_semaphore, #tpu.memory_space<semaphore_mem>>) src(%dma_wait3A_110 : memref<100x128xf32, #tpu.memory_space<vmem_shared>>) dst(%arg9 : memref<504x128xf32, #tpu.memory_space<vmem>>)
      %mul3A_111 = arith.constant 504 : i32
      %mul3A_112 = arith.muli %add3A_95, %mul3A_111 : i32
      %dma_start3A_113 = arith.constant 0 : i32
      %dma_start3A_114 = tpu.memref_slice %arg4[%mul3A_112, %dma_start3A_113] : memref<500000x128xf32, #tpu.memory_space<hbm>> -> memref<504x128xf32, #tpu.memory_space<hbm>>
      %dma_start3A_115 = arith.constant 0 : i32
      %dma_start3A_116 = tpu.memref_slice %arg4[%mul3A_112, %dma_start3A_115] : memref<500000x128xf32, #tpu.memory_space<hbm>> -> memref<504x128xf32, #tpu.memory_space<hbm>>
      tpu.enqueue_dma source(%arg9 : memref<504x128xf32, #tpu.memory_space<vmem>>) target(%dma_start3A_116 : memref<504x128xf32, #tpu.memory_space<hbm>>) target_semaphore(%arg14 : memref<!tpu.dma_semaphore, #tpu.memory_space<semaphore_mem>>)
      %add3A_117 = arith.constant 2 : i32
      %add3A_118 = arith.addi %add3A_92, %add3A_117 : i32
      %lt3A_119 = arith.constant 31 : i32
      %lt3A_120 = arith.cmpi slt, %add3A_118, %lt3A_119 : i32
      %convert_element_type3A_121 = arith.extui %lt3A_120 : i1 to i32
      %cond3A_122 = arith.constant 0 : i32
      %cond3A_123 = arith.cmpi ne, %convert_element_type3A_121, %cond3A_122 : i32
      scf.if %cond3A_123 {
        %add3A_124 = arith.constant 64 : i32
        %add3A_125 = arith.addi %add3A_95, %add3A_124 : i32
        %mul3A_126 = arith.constant 504 : i32
        %mul3A_127 = arith.muli %add3A_125, %mul3A_126 : i32
        %dma_start3A_128 = tpu.memref_slice %arg3[%mul3A_127] : memref<500000xi32, #tpu.memory_space<hbm>> -> memref<504xi32, #tpu.memory_space<hbm>>
        %dma_start3A_129 = tpu.memref_slice %arg3[%mul3A_127] : memref<500000xi32, #tpu.memory_space<hbm>> -> memref<504xi32, #tpu.memory_space<hbm>>
        tpu.enqueue_dma source(%dma_start3A_129 : memref<504xi32, #tpu.memory_space<hbm>>) target(%arg7 : memref<504xi32, #tpu.memory_space<vmem>>) target_semaphore(%arg12 : memref<!tpu.dma_semaphore, #tpu.memory_space<semaphore_mem>>)
      } else {
      }
    }
    %scan3A_16 = arith.constant 15 : i32
    %add3A_17 = arith.constant 960 : i32
    %add3A_18 = arith.addi %add3A, %add3A_17 : i32
    %dma_wait3A = arith.constant 0 : i32
    %dma_wait3A_19 = tpu.memref_slice %arg3[%dma_wait3A] : memref<500000xi32, #tpu.memory_space<hbm>> -> memref<504xi32, #tpu.memory_space<hbm>>
    %dma_wait3A_20 = arith.constant 0 : i32
    %dma_wait3A_21 = tpu.memref_slice %arg3[%dma_wait3A_20] : memref<500000xi32, #tpu.memory_space<hbm>> -> memref<504xi32, #tpu.memory_space<hbm>>
    tpu.wait_dma2 semaphore(%arg11 : memref<!tpu.dma_semaphore, #tpu.memory_space<semaphore_mem>>) src(%dma_wait3A_21 : memref<504xi32, #tpu.memory_space<hbm>>) dst(%arg6 : memref<504xi32, #tpu.memory_space<vmem>>)
    %dma_wait3A_22 = arith.constant 0 : i32
    %dma_wait3A_23 = arith.constant 0 : i32
    %dma_wait3A_24 = tpu.memref_slice %arg4[%dma_wait3A_22, %dma_wait3A_23] : memref<500000x128xf32, #tpu.memory_space<hbm>> -> memref<504x128xf32, #tpu.memory_space<hbm>>
    %dma_wait3A_25 = arith.constant 0 : i32
    %dma_wait3A_26 = arith.constant 0 : i32
    %dma_wait3A_27 = tpu.memref_slice %arg4[%dma_wait3A_25, %dma_wait3A_26] : memref<500000x128xf32, #tpu.memory_space<hbm>> -> memref<504x128xf32, #tpu.memory_space<hbm>>
    tpu.wait_dma2 semaphore(%arg13 : memref<!tpu.dma_semaphore, #tpu.memory_space<semaphore_mem>>) src(%arg8 : memref<504x128xf32, #tpu.memory_space<vmem>>) dst(%dma_wait3A_27 : memref<504x128xf32, #tpu.memory_space<hbm>>)
    %dma_start3A_28 = arith.constant 0 : i32
    %dma_start3A_29 = arith.constant 0 : i32
    %dma_start3A_30 = tpu.memref_slice %arg5[%dma_start3A_28, %dma_start3A_29] : memref<100x128xf32, #tpu.memory_space<vmem_shared>> -> memref<100x128xf32, #tpu.memory_space<vmem_shared>>
    tpu.enqueue_indirect_dma source(%dma_start3A_30 : memref<100x128xf32, #tpu.memory_space<vmem_shared>>) target(%arg8 : memref<504x128xf32, #tpu.memory_space<vmem>>) offsets(%arg6 : memref<504xi32, #tpu.memory_space<vmem>>) semaphore(%arg10 : memref<!tpu.dma_semaphore, #tpu.memory_space<semaphore_mem>>)
    %dma_wait3A_31 = arith.constant 0 : i32
    %dma_wait3A_32 = arith.constant 0 : i32
    %dma_wait3A_33 = tpu.memref_slice %arg5[%dma_wait3A_31, %dma_wait3A_32] : memref<100x128xf32, #tpu.memory_space<vmem_shared>> -> memref<100x128xf32, #tpu.memory_space<vmem_shared>>
    tpu.wait_indirect_dma semaphore(%arg10 : memref<!tpu.dma_semaphore, #tpu.memory_space<semaphore_mem>>) src(%dma_wait3A_33 : memref<100x128xf32, #tpu.memory_space<vmem_shared>>) dst(%arg8 : memref<504x128xf32, #tpu.memory_space<vmem>>)
    %mul3A_34 = arith.constant 504 : i32
    %mul3A_35 = arith.muli %add3A_18, %mul3A_34 : i32
    %dma_start3A_36 = arith.constant 0 : i32
    %dma_start3A_37 = tpu.memref_slice %arg4[%mul3A_35, %dma_start3A_36] : memref<500000x128xf32, #tpu.memory_space<hbm>> -> memref<504x128xf32, #tpu.memory_space<hbm>>
    %dma_start3A_38 = arith.constant 0 : i32
    %dma_start3A_39 = tpu.memref_slice %arg4[%mul3A_35, %dma_start3A_38] : memref<500000x128xf32, #tpu.memory_space<hbm>> -> memref<504x128xf32, #tpu.memory_space<hbm>>
    tpu.enqueue_dma source(%arg8 : memref<504x128xf32, #tpu.memory_space<vmem>>) target(%dma_start3A_39 : memref<504x128xf32, #tpu.memory_space<hbm>>) target_semaphore(%arg13 : memref<!tpu.dma_semaphore, #tpu.memory_space<semaphore_mem>>)
    %lt3A = arith.constant 1 : i32
    %lt3A_40 = arith.cmpi slt, %add3A, %lt3A : i32
    %convert_element_type3A_41 = arith.extui %lt3A_40 : i1 to i32
    %cond3A_42 = arith.constant 0 : i32
    %cond3A_43 = arith.cmpi ne, %convert_element_type3A_41, %cond3A_42 : i32
    scf.if %cond3A_43 {
      %mul3A_56 = arith.constant 32 : i32
      %mul3A_57 = arith.muli %add3A, %mul3A_56 : i32
      %add3A_58 = arith.constant 499968 : i32
      %add3A_59 = arith.addi %add3A_58, %mul3A_57 : i32
      %dma_start3A_60 = arith.constant 0 : i32
      %dma_start3A_61 = tpu.memref_slice %arg7[%dma_start3A_60] : memref<504xi32, #tpu.memory_space<vmem>> -> memref<32xi32, #tpu.memory_space<vmem>>
      %dma_start3A_62 = tpu.memref_slice %arg3[%add3A_59] : memref<500000xi32, #tpu.memory_space<hbm>> -> memref<32xi32, #tpu.memory_space<hbm>>
      %dma_start3A_63 = arith.constant 0 : i32
      %dma_start3A_64 = tpu.memref_slice %arg7[%dma_start3A_63] : memref<504xi32, #tpu.memory_space<vmem>> -> memref<32xi32, #tpu.memory_space<vmem>>
      %dma_start3A_65 = tpu.memref_slice %arg3[%add3A_59] : memref<500000xi32, #tpu.memory_space<hbm>> -> memref<32xi32, #tpu.memory_space<hbm>>
      tpu.enqueue_dma source(%dma_start3A_65 : memref<32xi32, #tpu.memory_space<hbm>>) target(%dma_start3A_64 : memref<32xi32, #tpu.memory_space<vmem>>) target_semaphore(%arg12 : memref<!tpu.dma_semaphore, #tpu.memory_space<semaphore_mem>>)
      %dma_wait3A_66 = arith.constant 0 : i32
      %dma_wait3A_67 = tpu.memref_slice %arg7[%dma_wait3A_66] : memref<504xi32, #tpu.memory_space<vmem>> -> memref<32xi32, #tpu.memory_space<vmem>>
      %dma_wait3A_68 = arith.constant 0 : i32
      %dma_wait3A_69 = tpu.memref_slice %arg3[%dma_wait3A_68] : memref<500000xi32, #tpu.memory_space<hbm>> -> memref<32xi32, #tpu.memory_space<hbm>>
      %dma_wait3A_70 = arith.constant 0 : i32
      %dma_wait3A_71 = tpu.memref_slice %arg7[%dma_wait3A_70] : memref<504xi32, #tpu.memory_space<vmem>> -> memref<32xi32, #tpu.memory_space<vmem>>
      %dma_wait3A_72 = arith.constant 0 : i32
      %dma_wait3A_73 = tpu.memref_slice %arg3[%dma_wait3A_72] : memref<500000xi32, #tpu.memory_space<hbm>> -> memref<32xi32, #tpu.memory_space<hbm>>
      tpu.wait_dma2 semaphore(%arg12 : memref<!tpu.dma_semaphore, #tpu.memory_space<semaphore_mem>>) src(%dma_wait3A_73 : memref<32xi32, #tpu.memory_space<hbm>>) dst(%dma_wait3A_71 : memref<32xi32, #tpu.memory_space<vmem>>)
      %dma_wait3A_74 = arith.constant 0 : i32
      %dma_wait3A_75 = arith.constant 0 : i32
      %dma_wait3A_76 = tpu.memref_slice %arg4[%dma_wait3A_74, %dma_wait3A_75] : memref<500000x128xf32, #tpu.memory_space<hbm>> -> memref<504x128xf32, #tpu.memory_space<hbm>>
      %dma_wait3A_77 = arith.constant 0 : i32
      %dma_wait3A_78 = arith.constant 0 : i32
      %dma_wait3A_79 = tpu.memref_slice %arg4[%dma_wait3A_77, %dma_wait3A_78] : memref<500000x128xf32, #tpu.memory_space<hbm>> -> memref<504x128xf32, #tpu.memory_space<hbm>>
      tpu.wait_dma2 semaphore(%arg14 : memref<!tpu.dma_semaphore, #tpu.memory_space<semaphore_mem>>) src(%arg9 : memref<504x128xf32, #tpu.memory_space<vmem>>) dst(%dma_wait3A_79 : memref<504x128xf32, #tpu.memory_space<hbm>>)
      %dma_start3A_80 = arith.constant 0 : i32
      %dma_start3A_81 = arith.constant 0 : i32
      %dma_start3A_82 = tpu.memref_slice %arg9[%dma_start3A_80, %dma_start3A_81] : memref<504x128xf32, #tpu.memory_space<vmem>> -> memref<32x128xf32, #tpu.memory_space<vmem>>
      %dma_start3A_83 = arith.constant 0 : i32
      %dma_start3A_84 = tpu.memref_slice %arg7[%dma_start3A_83] : memref<504xi32, #tpu.memory_space<vmem>> -> memref<32xi32, #tpu.memory_space<vmem>>
      %dma_start3A_85 = arith.constant 0 : i32
      %dma_start3A_86 = arith.constant 0 : i32
      %dma_start3A_87 = tpu.memref_slice %arg5[%dma_start3A_85, %dma_start3A_86] : memref<100x128xf32, #tpu.memory_space<vmem_shared>> -> memref<100x128xf32, #tpu.memory_space<vmem_shared>>
      tpu.enqueue_indirect_dma source(%dma_start3A_87 : memref<100x128xf32, #tpu.memory_space<vmem_shared>>) target(%dma_start3A_82 : memref<32x128xf32, #tpu.memory_space<vmem>>) offsets(%dma_start3A_84 : memref<32xi32, #tpu.memory_space<vmem>>) semaphore(%arg10 : memref<!tpu.dma_semaphore, #tpu.memory_space<semaphore_mem>>)
      %dma_wait3A_88 = arith.constant 0 : i32
      %dma_wait3A_89 = arith.constant 0 : i32
      %dma_wait3A_90 = tpu.memref_slice %arg9[%dma_wait3A_88, %dma_wait3A_89] : memref<504x128xf32, #tpu.memory_space<vmem>> -> memref<32x128xf32, #tpu.memory_space<vmem>>
      %dma_wait3A_91 = arith.constant 0 : i32
      %dma_wait3A_92 = tpu.memref_slice %arg7[%dma_wait3A_91] : memref<504xi32, #tpu.memory_space<vmem>> -> memref<32xi32, #tpu.memory_space<vmem>>
      %dma_wait3A_93 = arith.constant 0 : i32
      %dma_wait3A_94 = arith.constant 0 : i32
      %dma_wait3A_95 = tpu.memref_slice %arg5[%dma_wait3A_93, %dma_wait3A_94] : memref<100x128xf32, #tpu.memory_space<vmem_shared>> -> memref<100x128xf32, #tpu.memory_space<vmem_shared>>
      tpu.wait_indirect_dma semaphore(%arg10 : memref<!tpu.dma_semaphore, #tpu.memory_space<semaphore_mem>>) src(%dma_wait3A_95 : memref<100x128xf32, #tpu.memory_space<vmem_shared>>) dst(%dma_wait3A_90 : memref<32x128xf32, #tpu.memory_space<vmem>>)
      %dma_start3A_96 = arith.constant 0 : i32
      %dma_start3A_97 = arith.constant 0 : i32
      %dma_start3A_98 = tpu.memref_slice %arg9[%dma_start3A_96, %dma_start3A_97] : memref<504x128xf32, #tpu.memory_space<vmem>> -> memref<32x128xf32, #tpu.memory_space<vmem>>
      %dma_start3A_99 = arith.constant 0 : i32
      %dma_start3A_100 = tpu.memref_slice %arg4[%add3A_59, %dma_start3A_99] : memref<500000x128xf32, #tpu.memory_space<hbm>> -> memref<32x128xf32, #tpu.memory_space<hbm>>
      %dma_start3A_101 = arith.constant 0 : i32
      %dma_start3A_102 = tpu.memref_slice %arg4[%add3A_59, %dma_start3A_101] : memref<500000x128xf32, #tpu.memory_space<hbm>> -> memref<32x128xf32, #tpu.memory_space<hbm>>
      %dma_start3A_103 = arith.constant 0 : i32
      %dma_start3A_104 = arith.constant 0 : i32
      %dma_start3A_105 = tpu.memref_slice %arg9[%dma_start3A_103, %dma_start3A_104] : memref<504x128xf32, #tpu.memory_space<vmem>> -> memref<32x128xf32, #tpu.memory_space<vmem>>
      tpu.enqueue_dma source(%dma_start3A_105 : memref<32x128xf32, #tpu.memory_space<vmem>>) target(%dma_start3A_102 : memref<32x128xf32, #tpu.memory_space<hbm>>) target_semaphore(%arg14 : memref<!tpu.dma_semaphore, #tpu.memory_space<semaphore_mem>>)
      %dma_wait3A_106 = arith.constant 0 : i32
      %dma_wait3A_107 = arith.constant 0 : i32
      %dma_wait3A_108 = tpu.memref_slice %arg9[%dma_wait3A_106, %dma_wait3A_107] : memref<504x128xf32, #tpu.memory_space<vmem>> -> memref<32x128xf32, #tpu.memory_space<vmem>>
      %dma_wait3A_109 = arith.constant 0 : i32
      %dma_wait3A_110 = tpu.memref_slice %arg4[%add3A_59, %dma_wait3A_109] : memref<500000x128xf32, #tpu.memory_space<hbm>> -> memref<32x128xf32, #tpu.memory_space<hbm>>
      %dma_wait3A_111 = arith.constant 0 : i32
      %dma_wait3A_112 = tpu.memref_slice %arg4[%add3A_59, %dma_wait3A_111] : memref<500000x128xf32, #tpu.memory_space<hbm>> -> memref<32x128xf32, #tpu.memory_space<hbm>>
      %dma_wait3A_113 = arith.constant 0 : i32
      %dma_wait3A_114 = arith.constant 0 : i32
      %dma_wait3A_115 = tpu.memref_slice %arg9[%dma_wait3A_113, %dma_wait3A_114] : memref<504x128xf32, #tpu.memory_space<vmem>> -> memref<32x128xf32, #tpu.memory_space<vmem>>
      tpu.wait_dma2 semaphore(%arg14 : memref<!tpu.dma_semaphore, #tpu.memory_space<semaphore_mem>>) src(%dma_wait3A_115 : memref<32x128xf32, #tpu.memory_space<vmem>>) dst(%dma_wait3A_112 : memref<32x128xf32, #tpu.memory_space<hbm>>)
    } else {
    }
    %lt3A_44 = arith.constant 1 : i32
    %lt3A_45 = arith.cmpi slt, %add3A, %lt3A_44 : i32
    %not3A = arith.constant true
    %not3A_46 = arith.xori %lt3A_45, %not3A : i1
    %convert_element_type3A_47 = arith.extui %not3A_46 : i1 to i32
    %cond3A_48 = arith.constant 0 : i32
    %cond3A_49 = arith.cmpi ne, %convert_element_type3A_47, %cond3A_48 : i32
    scf.if %cond3A_49 {
      %dma_wait3A_56 = arith.constant 0 : i32
      %dma_wait3A_57 = arith.constant 0 : i32
      %dma_wait3A_58 = tpu.memref_slice %arg4[%dma_wait3A_56, %dma_wait3A_57] : memref<500000x128xf32, #tpu.memory_space<hbm>> -> memref<504x128xf32, #tpu.memory_space<hbm>>
      %dma_wait3A_59 = arith.constant 0 : i32
      %dma_wait3A_60 = arith.constant 0 : i32
      %dma_wait3A_61 = tpu.memref_slice %arg4[%dma_wait3A_59, %dma_wait3A_60] : memref<500000x128xf32, #tpu.memory_space<hbm>> -> memref<504x128xf32, #tpu.memory_space<hbm>>
      tpu.wait_dma2 semaphore(%arg14 : memref<!tpu.dma_semaphore, #tpu.memory_space<semaphore_mem>>) src(%arg9 : memref<504x128xf32, #tpu.memory_space<vmem>>) dst(%dma_wait3A_61 : memref<504x128xf32, #tpu.memory_space<hbm>>)
    } else {
    }
    %dma_wait3A_50 = arith.constant 0 : i32
    %dma_wait3A_51 = arith.constant 0 : i32
    %dma_wait3A_52 = tpu.memref_slice %arg4[%dma_wait3A_50, %dma_wait3A_51] : memref<500000x128xf32, #tpu.memory_space<hbm>> -> memref<504x128xf32, #tpu.memory_space<hbm>>
    %dma_wait3A_53 = arith.constant 0 : i32
    %dma_wait3A_54 = arith.constant 0 : i32
    %dma_wait3A_55 = tpu.memref_slice %arg4[%dma_wait3A_53, %dma_wait3A_54] : memref<500000x128xf32, #tpu.memory_space<hbm>> -> memref<504x128xf32, #tpu.memory_space<hbm>>
    tpu.wait_dma2 semaphore(%arg13 : memref<!tpu.dma_semaphore, #tpu.memory_space<semaphore_mem>>) src(%arg8 : memref<504x128xf32, #tpu.memory_space<vmem>>) dst(%dma_wait3A_55 : memref<504x128xf32, #tpu.memory_space<hbm>>)
    return
  }
}

</mosaic_0001>

<sc_bundles>
// kernel: kernel.3.cloned.1.call-start
scs
__scs_entry_jumppad:
0x0: {  	(pc) =	sbr.rel $0x88, $3  }
0x1: {  	(tag) =	ssettag $0x0;
	lr =	simm.s32 $0x1  }
0x2: {  	[smem:$0x3F9F] =	sst lr;
	_ =	strace $0xD0000000  }
0x3: {  	_ = 	snop  }
0x4: {  	_ = 	snop  }
0x5: {  	_ = 	snop  }
0x6: {  	_ = 	snop  }
0x7: {  	_ = 	snop  }
__scs_overlays_trampoline_lowered:
0x8: {  	[smem:$0x3FAE] =	sst s0  }
0x9: {  	[smem:$0x3FAF] =	sst s1  }
0xa: {  	[smem:$0x3FB0] =	sst s2  }
0xb: {  	[smem:$0x3FB1] =	sst s3  }
0xc: {  	[smem:$0x3FB2] =	sst s4  }
0xd: {  	[smem:$0x3FB3] =	sst s5  }
0xe: {  	[smem:$0x3FB4] =	sst s6  }
0xf: {  	[smem:$0x3FB5] =	sst s7  }
0x10: {  	[smem:$0x3FB6] =	sst s8  }
0x11: {  	[smem:$0x3FB7] =	sst s9;
	s0 =	simm.s32 @!p0 $0x0  }
0x12: {  	s1 =	sld [smem:$0x3F9D];
	s0 =	simm.s32 @p0 $0x1  }
0x13: {  	[smem:$0x3FB8] =	sst s0;
	s0 =	simm.s32 @!p1 $0x0  }
0x14: {  	s2 =	sld [smem:$0x3F9C];
	s0 =	simm.s32 @p1 $0x1  }
0x15: {  	[smem:$0x3FB9] =	sst s0;
	s0 =	simm.s32 @!p2 $0x0  }
0x16: {  	s3 =	sld [smem:$0x3FDB];
	s0 =	simm.s32 @p2 $0x1  }
0x17: {  	s4 =	simm.s32 $0x1BF5;
	[smem:$0x3FBB] =	sst s0  }
0x18: {  	s0 =	sld [smem:$0x3F9E];
	_ =	swait.ge [sflag:s4], $0x0  }
0x19: {  	s7 =	sld [smem:$0x3F9F]  }
0x1a: {  	s8 =	sadd.s32 $0xFFFFE003, lr  }
0x1b: {  	s9 =	sadd.s32 $0xFFFFFEF7, lr;
	s5 =	simm.s32 $0xFFFFFFFF;
	p2 =	slt.u32 s8, $0xFFFFF086  }
0x1c: {  	p1 =	slt.u32 s9, $0xF7A;
	s5 =	simm.s32 @!p2 $0x0  }
0x1d: {  	s5 =	simm.s32 @p1 $0x1;
	p0 =	seq.s32 s7, s2  }
0x1e: {  	s7 =	smul.u32 @!p0 $0xF7A, s2;
	p2 =	seq.s32 @!p0 s5, $0x0  }
0x1f: {  	s9 =	smul.u32 $0xF7A, s1;
	s8 =	simm.s32 @!p0 $0x1BF5;
	p2 =	por !p2, p0  }
0x20: {  	[sflag:s8] =	ssyncset.s32 @!p0 $0xFFFFF086;
	s6 =	sadd.s32 @!p0 s3, s7;
	s7 =	simm.s32 @!p0 $0x108  }
0x21: {  	s3 =	sadd.s32 s3, s9;
	s6 =	sadd.s32 @!p0 $0x88, s6;
	s7 =	simm.s32 @p2 $0x1082  }
0x22: {  	[simem:s7], [sflag:s8] =	dma.local @!p0 [hbm:s6], $0xF7A  }
0x23: {  	s9 =	sor.u32 $0xD0000000, s2;
	s6 =	simm.s32 $0x108;
	_ =	swait.ge @!p0 [sflag:s8], $0x0  }
0x24: {  	s3 =	sadd.s32 $0x88, s3;
	s6 =	simm.s32 @!p1 $0x1082;
	[sflag:s4] =	ssyncset.s32 $0xFFFFF086  }
0x25: {  	[simem:s6], [sflag:s4] =	dma.local [hbm:s3], $0xF7A  }
0x26: {  	[smem:$0x3F9F] =	sst s1;
	(tag) =	ssettag s2;
	_ =	strace s9  }
0x27: {  	s1 =	sld [smem:$0x3FAF]  }
0x28: {  	s2 =	sld [smem:$0x3FB0]  }
0x29: {  	s4 =	sld [smem:$0x3FB2]  }
0x2a: {  	p0 =	seq.s32 s5, $0x0;
	s5 =	sld [smem:$0x3FB3]  }
0x2b: {  	s6 =	sld [smem:$0x3FB4]  }
0x2c: {  	s7 =	sld [smem:$0x3FB5]  }
0x2d: {  	s3 =	simm.s32 $0x108;
	s8 =	sld [smem:$0x3FB6]  }
0x2e: {  	s3 =	simm.s32 @!p0 $0x1082;
	s9 =	sld [smem:$0x3FB7]  }
0x2f: {  	lr =	sadd.s32 s0, s3;
	s0 =	sld [smem:$0x3FAE]  }
0x30: {  	s3 =	sld [smem:$0x3FB1]  }
0x31: {  	[smem:$0x3FBA] =	sst s10  }
0x32: {  	s10 =	sld [smem:$0x3FB8];
	_ =	sdelay $0x3  }
0x33: {  	p0 =	seq.s32 s10, $0x1;
	s10 =	sld [smem:$0x3FBA];
	_ =	sdelay $0x3  }
0x34: {  	[smem:$0x3FBA] =	sst s10  }
0x35: {  	s10 =	sld [smem:$0x3FB9];
	_ =	sdelay $0x3  }
0x36: {  	p1 =	seq.s32 s10, $0x1;
	s10 =	sld [smem:$0x3FBA];
	_ =	sdelay $0x3  }
0x37: {  	[smem:$0x3FBA] =	sst s10  }
0x38: {  	s10 =	sld [smem:$0x3FBB]  }
0x39: {  	_ = 	snop;
	(pc) =	sbr.ind lr, $3  }
0x3a: {  	_ = 	snop  }
0x3b: {  	_ = 	snop  }
0x3c: {  	p2 =	seq.s32 s10, $0x1;
	s10 =	sld [smem:$0x3FBA]  }
0x3d: {  	_ =	shalt  }
0x3e: {  	_ =	shalt  }
0x3f: {  	_ =	shalt  }
0x40: {  	_ =	shalt  }
0x41: {  	_ =	shalt  }
0x42: {  	_ =	shalt  }
0x43: {  	_ =	shalt  }
0x44: {  	_ =	shalt  }
0x45: {  	_ =	shalt  }
0x46: {  	_ =	shalt  }
0x47: {  	_ =	shalt  }
0x48: {  	_ =	shalt  }
0x49: {  	_ =	shalt  }
0x4a: {  	_ =	shalt  }
0x4b: {  	_ =	shalt  }
0x4c: {  	_ =	shalt  }
0x4d: {  	_ =	shalt  }
0x4e: {  	_ =	shalt  }
0x4f: {  	_ =	shalt  }
0x50: {  	_ =	shalt  }
0x51: {  	_ =	shalt  }
0x52: {  	_ =	shalt  }
0x53: {  	_ =	shalt  }
0x54: {  	_ =	shalt  }
0x55: {  	_ =	shalt  }
0x56: {  	_ =	shalt  }
0x57: {  	_ =	shalt  }
0x58: {  	_ =	shalt  }
0x59: {  	_ =	shalt  }
0x5a: {  	_ =	shalt  }
0x5b: {  	_ =	shalt  }
0x5c: {  	_ =	shalt  }
0x5d: {  	_ =	shalt  }
0x5e: {  	_ =	shalt  }
0x5f: {  	_ =	shalt  }
0x60: {  	_ =	shalt  }
0x61: {  	_ =	shalt  }
0x62: {  	_ =	shalt  }
0x63: {  	_ =	shalt  }
0x64: {  	_ =	shalt  }
0x65: {  	_ =	shalt  }
0x66: {  	_ =	shalt  }
0x67: {  	_ =	shalt  }
0x68: {  	_ =	shalt  }
0x69: {  	_ =	shalt  }
0x6a: {  	_ =	shalt  }
0x6b: {  	_ =	shalt  }
0x6c: {  	_ =	shalt  }
0x6d: {  	_ =	shalt  }
0x6e: {  	_ =	shalt  }
0x6f: {  	_ =	shalt  }
0x70: {  	_ =	shalt  }
0x71: {  	_ =	shalt  }
0x72: {  	_ =	shalt  }
0x73: {  	_ =	shalt  }
0x74: {  	_ =	shalt  }
0x75: {  	_ =	shalt  }
0x76: {  	_ =	shalt  }
0x77: {  	_ =	shalt  }
0x78: {  	_ =	shalt  }
0x79: {  	_ =	shalt  }
0x7a: {  	_ =	shalt  }
0x7b: {  	_ =	shalt  }
0x7c: {  	_ =	shalt  }
0x7d: {  	_ =	shalt  }
0x7e: {  	_ =	shalt  }
0x7f: {  	_ =	shalt  }
0x80: {  	_ =	shalt  }
0x81: {  	_ =	shalt  }
0x82: {  	_ =	shalt  }
0x83: {  	_ =	shalt  }
0x84: {  	_ =	shalt  }
0x85: {  	_ =	shalt  }
0x86: {  	_ =	shalt  }
0x87: {  	_ =	shalt  }
.Lfunc_end0:
.L_simem_size_0:
called_computation_lowered:
.L_overlay_start_0:
0x88: {  	s2 =	sld [smem:$0x3FD9]  }
0x89: {  	s3 =	sld [smem:$0x3FFE];
	_ =	sdelay $0x1  }
0x8a: {  	s1 =	srdreg.scid  }
0x8b: {  	s0 =	sand.u32 $0x1, s1  }
0x8c: {  	s18 =	sshll.u32 s0, $0xA;
	s2 =	sadd.s32 s3, s2  }
0x8d: {  	s2 =	sadd.s32 s2, s18  }
0x8e: {  	[smem:$0x3FC6] =	sst s2  }
0x8f: {  	_ = 	snop  }
0x90: {  	s2 =	sld [smem:$0x3FC9]  }
0x91: {  	s19 =	sld [smem:$0x3FC8]  }
0x92: {  	s4 =	sld [smem:$0x3FD0];
	(tm) =	ssettm $0x1  }
0x93: {  	s5 =	sld [smem:$0x3FFB];
	_ =	sdelay $0x3  }
0x94: {  	_ =	strace s5  }
0x95: {  	s5 =	sld [smem:$0x3FFC];
	_ =	sdelay $0x3  }
0x96: {  	_ =	strace s5  }
0x97: {  	s5 =	sld [smem:$0x3FFD];
	_ =	sdelay $0x3  }
0x98: {  	_ =	strace s5  }
0x99: {  	_ =	strace $0x8FFFFFFF  }
0x9a: {  	s20 =	sld [smem:$0x3FDB];
	_ =	sdelay $0x1  }
0x9b: {  	s6 =	simm.s32 $_scs_section_size  }
0x9c: {  	s7 =	simm.s32 $_size__tile_overlayer_lowered;
	s8 =	simm.s32 $_tile_overlayer_lowered  }
0x9d: {  	s23 =	simm.s32 $0x1BFF;
	s22 =	sshll.u32 s8, $0x1;
	s5 =	sadd.s32 s6, s20  }
0x9e: {  	s9 =	simm.s32 $0x0;
	s21 =	sshll.u32 s7, $0x1;
	s7 =	sadd.s32 s22, s5  }
0x9f: {  	[timem:s9], [sflag:s23] =	dma.local [hbm:s7], s21  }
0xa0: {  	_ =	swait.ge [sflag:s23], s21  }
0xa1: {  	s6 =	ssub.s32 $0x0, s21;
	[sflag:s23] =	ssyncset.done $0x0  }
0xa2: {  	[sflag:s23] =	ssyncadd.s32 s6;
	_ =	sdelay $0x1  }
0xa3: {  	s24 =	simm.s32 $0x1B8B  }
0xa4: {  	_ =	swait.ge [sflag:s24], $0x1  }
0xa5: {  	[sflag:s24] =	ssyncset.done $0x0  }
0xa6: {  	s25 =	simm.s32 $0x1B8E;
	[sflag:s24] =	ssyncadd.s32 $0xFFFFFFFF  }
0xa7: {  	s26 =	simm.s32 $execute0_lowered;
	[smem:$0x3FD2] =	sst s25  }
0xa8: {  	s6 =	sshll.u32 s26, $0x1;
	_ =	strace $0x80000046;
	[dreg:$0x1] =	wrdreg $0xFFFFFFFF  }
0xa9: {  	s28 =	simm.s32 $_size_execute0_lowered;
	s5 =	sadd.s32 s5, s6;
	[dreg:$0x0] =	wrdreg $0x0  }
0xaa: {  	s6 =	sshll.u32 s28, $0x1;
	[dreg:$0x2] =	wrdreg s5  }
0xab: {  	[dreg:$0x3] =	wrdreg s6  }
0xac: {  	[dreg:$0x4] =	wrdreg $0xC0  }
0xad: {  	_ =	task [dreg:s9], $0x5FFFF  }
0xae: {  	[dreg:$0x1] =	wrdreg $0xFFFFFFFF  }
0xaf: {  	[dreg:$0x0] =	wrdreg $0x60  }
0xb0: {  	[dreg:$0x2] =	wrdreg s19  }
0xb1: {  	[dreg:$0x3] =	wrdreg s2  }
0xb2: {  	[dreg:$0x4] =	wrdreg s4  }
0xb3: {  	[dreg:$0x5] =	wrdreg $0x0  }
0xb4: {  	[dreg:$0x6] =	wrdreg $0x9  }
0xb5: {  	_ =	task.clear_ibuf [dreg:s9], $0x7FFFF;
	_ =	strace $0x90000046  }
0xb6: {  	s29 =	simm.s32 $0x9;
	_ =	strace $0x80000048  }
0xb7: {  	_ =	swait.ge [sflag:s29], $0x1  }
0xb8: {  	[sflag:s29] =	ssyncadd.s32 $0xFFFFFFFF  }
0xb9: {  	_ =	strace $0x90000048  }
0xba: {  	_ =	sfence  }
0xbb: {  	s30 =	sld [smem:$0x0];
	_ =	sdelay $0x2  }
0xbc: {  	s31 =	sshll.u32 s1, $0xD;
	s1 =	sshrl.u32 s1, $0x2  }
0xbd: {  	s3 =	sand.u32 $0x4000, s31;
	s1 =	sadd.s32 s1, s30  }
0xbe: {  	s0 =	sor.u32 s3, s0;
	s1 =	sshll.u32 s1, $0x11  }
0xbf: {  	s0 =	sor.u32 s1, s0  }
0xc0: {  	s0 =	sadd.s32 $0x8F2B, s0  }
0xc1: {  	[sflag:s0] =	ssyncadd.remote.s32 $0x1  }
0xc2: {  	_ =	sfence.sel $0xFFFF  }
0xc3: {  	[dreg:$0x0] =	wrdreg $0xFFFFFFFF;
	(pc) =	sbr.abs _section_cstart, $3  }
0xc4: {  	[dreg:$0x1] =	wrdreg $0xFFFFFFFF  }
0xc5: {  	_ =	task.clear_ibuf [dreg:s9], $0x2FFFF;
	_ =	strace $0x9FFFFFFF  }
0xc6: {  	(tm) =	ssettm $0x7FFFFFFF  }
0xc7: {  	_ =	shalt  }
tec
execute0_lowered:
.L_overlay_start_1:
0x0: {  	(tag) =	ssettag $0x1  }
0x1: {  	s16 =	rddreg [dreg:$0x1];
	s17 =	stileid.u32  }
0x2: {  	s1 =	srdreg.scid;
	s19 =	smul.u32 $0x3F0, s17  }
0x3: {  	s14 =	rddreg [dreg:$0x2];
	s13 =	sand.u32 $0x1, s1;
	s24 =	smul.u32 $0x3F00, s17  }
0x4: {  	s2 =	rddreg [dreg:$0x3];
	s4 =	sshll.u32 s17, $0x1;
	s20 =	smul.u32 $0x1F8, s13  }
0x5: {  	s3 =	simm.s32 $0x0;
	s25 =	sor.u32 s13, s4;
	s26 =	smul.u32 $0x1F80, s13  }
0x6: {  	s28 =	simm.s32 $0x5;
	s29 =	simm.s32 $0x0;
	s4 =	smul.u32 $0x1F8, s25  }
0x7: {  	[smem:$0x7FF] =	sst s3;
	p0 =	sne.s32 s17, $0x0;
	s6 =	smul.u32 $0x3F, s25  }
0x8: {  	s17 =	simm.s32 $0x320;
	s5 =	ssub.s32 $0x2, s13;
	s9 =	smul.u32 $0xFC00, s25  }
0x9: {  	_ =	strace $0x80000047;
	s7 =	sshrl.u32 s5, $0x1;
	s12 =	smul.u32 $0x1F80, s25  }
0xa: {  	s22 =	sor.u32 $0x20, s25;
	p1 =	sne.s32 s25, $0x0;
	s25 =	simm.s32 $0x10320  }
0xb: {  	s10 =	ssub.s32 s5, s7;
	s15 =	smul.u32 $0x1F80, s22;
	s7 =	sadd.s32 $0xF420, s16  }
0xc: {  	s18 =	smul.u32 $0x1F8, s22;
	s19 =	sadd.s32 s20, s19;
	s20 =	simm.s32 $0x2  }
0xd: {  	s22 =	simm.s32 $0x720;
	s8 =	sshrl.u32 s4, $0x3;
	s0 =	sadd.s32 s16, s6  }
0xe: {  	s21 =	sshrl.u32 s9, $0x3;
	s9 =	smax.u32 s10, $0x1;
	s10 =	sadd.s32 s14, s12  }
0xf: {  	s30 =	sadd.s32 $0x13B00, s19;
	s19 =	sadd.s32 $0xFC00, s19;
	[dreg:$0x5] =	wrdreg s0  }
0x10: {  	s11 =	sadd.s32 s16, s8;
	s6 =	sadd.s32 s14, s21;
	s8 =	sadd.s32 $0x7A1000, s14  }
0x11: {  	s12 =	sadd.s32 s14, s15;
	s23 =	sshrl.u32 s18, $0x3;
	s14 =	sadd.s32 s24, s14  }
0x12: {  	s31 =	sshrl.u32 s19, $0x3;
	s19 =	sshrl.u32 @!p0 s2, $0x3;
	s21 =	simm.s32 $0x1F8  }
.Ltmp0:
0x13: {  	s24 =	simm.s32 $0x3;
	s5 =	sadd.s32 $0x7E0, s11;
	(pc) =	sbr.rel .LBB2_1-.Ltmp0, $4  }
0x14: {  	s6 =	sadd.s32 $0x762000, s6;
	s11 =	sadd.s32 $0xFC0, s11;
	s15 =	sadd.s32 s16, s23  }
0x15: {  	s18 =	sadd.s32 s26, s14;
	s13 =	sadd.s32 $0xFC0, s15;
	s15 =	sshrl.u32 s30, $0x3  }
0x16: {  	s23 =	simm.s32 $0x1;
	s26 =	simm.s32 $0x4;
	s14 =	sadd.s32 s15, s16  }
0x17: {  	s15 =	sadd.s32 $0xBD000, s18;
	s16 =	sadd.s32 s31, s16;
	s18 =	simm.s32 $0x520  }
.LBB2_4:
0x18: {  	_ =	swait.ge [sflag:s20], $0x1F8  }
0x19: {  	[sflag:s20] =	ssyncset.done $0x0  }
0x1a: {  	[sflag:s20] =	ssyncadd.s32 $0xFFFFFE08  }
0x1b: {  	_ =	swait.ge [sflag:s26], $0xFC00  }
0x1c: {  	[sflag:s26] =	ssyncset.done $0x0  }
0x1d: {  	[sflag:s26] =	ssyncadd.s32 $0xFFFF0400  }
0x1e: {  	[tilespmem:s22], [sflag:$0x1] =	stream.indirect.gather [spmem:s2], $0x80, s17, s21, $0xb8;
	[tilespmem:$0x1FF20] =	vst v63  }
0x1f: {  	_ =	swait.ge [sflag:s23], $0xFC00  }
0x20: {  	[sflag:s23] =	ssyncset.done $0x0  }
0x21: {  	s1 =	simm.s32 @p1 $0x5;
	[sflag:s23] =	ssyncadd.s32 $0xFFFF0400  }
0x22: {  	[hbm4b:s6+s3] =	stream.linear.scatter [tilespmem:s22], [sflag:$0x4], $0xFC00, $0x38;
	[tilespmem:$0x1FF20] =	vst v63  }
0x23: {  	_ =	swait.ge @p1 [sflag:s1], $0xFC00  }
0x24: {  	s30 =	simm.s32 @!p1 $0x520;
	[sflag:s1] =	ssyncset.done @p1 $0x0  }
0x25: {  	s31 =	simm.s32 @!p1 $0x3;
	[sflag:s1] =	ssyncadd.s32 @p1 $0xFFFF0400;
	s1 =	simm.s32 @!p1 $0x0  }
0x26: {  	[tilespmem:s30], [sflag:$0x3] =	stream.linear.gather @!p1 [hbm4b:s7+s1], $0x20, $0x38;
	[tilespmem:$0x1FF20] =	vst v63  }
0x27: {  	_ =	swait.ge @!p1 [sflag:s31], $0x20  }
0x28: {  	[sflag:s31] =	ssyncset.done @!p1 $0x0  }
0x29: {  	[sflag:s31] =	ssyncadd.s32 @!p1 $0xFFFFFFE0;
	s31 =	simm.s32 @!p1 $0x5  }
0x2a: {  	_ =	swait.ge @!p1 [sflag:s31], $0xFC00  }
0x2b: {  	[sflag:s31] =	ssyncset.done @!p1 $0x0  }
0x2c: {  	s0 =	simm.s32 @!p1 $0x20;
	s4 =	simm.s32 @!p1 $0x10320;
	[sflag:s31] =	ssyncadd.s32 @!p1 $0xFFFF0400  }
0x2d: {  	[tilespmem:s4], [sflag:$0x1] =	stream.indirect.gather @!p1 [spmem:s2], $0x80, s30, s0, $0xb8;
	[tilespmem:$0x1FF20] =	vst v63  }
0x2e: {  	s0 =	simm.s32 @!p1 $0x1  }
0x2f: {  	_ =	swait.ge @!p1 [sflag:s0], $0x1000  }
0x30: {  	[sflag:s0] =	ssyncset.done @!p1 $0x0  }
0x31: {  	s29 =	sadd.s32 $0x1, s29;
	[sflag:s0] =	ssyncadd.s32 @!p1 $0xFFFFF000  }
0x32: {  	[hbm4b:s8+s1] =	stream.linear.scatter @!p1 [tilespmem:s4], [sflag:$0x5], $0x1000, $0x38;
	[tilespmem:$0x1FF20] =	vst v63  }
0x33: {  	p2 =	sne.s32 s29, s9;
	_ =	swait.ge @!p1 [sflag:s31], $0x1000  }
.Ltmp1:
0x34: {  	[sflag:s31] =	ssyncset.done @!p1 $0x0;
	(pc) =	sbr.rel @!p2 .LBB2_5-.Ltmp1, $4  }
0x35: {  	[sflag:s31] =	ssyncadd.s32 @!p1 $0xFFFFF000  }
0x36: {  	_ =	swait.ge [sflag:s26], $0xFC00  }
0x37: {  	[sflag:s26] =	ssyncset.done $0x0  }
0x38: {  	[sflag:s26] =	ssyncadd.s32 $0xFFFF0400  }
.LBB2_1:
0x39: {  	s0 =	rddreg [dreg:$0x5]  }
0x3a: {  	[tilespmem:s17], [sflag:$0x2] =	stream.linear.gather [hbm4b:s0+s3], $0x1F8, $0x38;
	[tilespmem:$0x1FF20] =	vst v63  }
0x3b: {  	s30 =	simm.s32 @!p0 $0x1C06;
	s0 =	rddreg [dreg:$0x0]  }
0x3c: {  	[tilespmem:s18], [sflag:$0x3] =	stream.linear.gather [hbm4b:s5+s3], $0x1F8, $0x38;
	[tilespmem:$0x1FF20] =	vst v63  }
0x3d: {  	[spmem:s19], [sflag:s30] =	dma.local @!p0 [hbm:s0], $0x640  }
0x3e: {  	s30 =	simm.s32 @!p0 $0x6  }
0x3f: {  	_ =	swait.ge @!p0 [sflag:s30], $0x640  }
0x40: {  	[sflag:s30] =	ssyncset.done @!p0 $0x0  }
0x41: {  	[sflag:s30] =	ssyncadd.s32 @!p0 $0xFFFFF9C0  }
0x42: {  	[bflag:$0x0] =	sbarrier.arrive $0xFFFF  }
0x43: {  	_ =	swait.ge [sflag:s20], $0x1F8  }
0x44: {  	[sflag:s20] =	ssyncset.done $0x0  }
0x45: {  	[sflag:s20] =	ssyncadd.s32 $0xFFFFFE08  }
0x46: {  	[tilespmem:s22], [sflag:$0x1] =	stream.indirect.gather [spmem:s2], $0x80, s17, s21, $0xb8;
	[tilespmem:$0x1FF20] =	vst v63  }
0x47: {  	_ =	swait.ge [sflag:s23], $0xFC00  }
0x48: {  	[sflag:s23] =	ssyncset.done $0x0  }
0x49: {  	[sflag:s23] =	ssyncadd.s32 $0xFFFF0400  }
0x4a: {  	[hbm4b:s10+s3] =	stream.linear.scatter [tilespmem:s22], [sflag:$0x4], $0xFC00, $0x38;
	[tilespmem:$0x1FF20] =	vst v63  }
0x4b: {  	_ = 	snop  }
0x4c: {  	[tilespmem:s17], [sflag:$0x2] =	stream.linear.gather [hbm4b:s11+s3], $0x1F8, $0x38;
	[tilespmem:$0x1FF20] =	vst v63  }
0x4d: {  	_ =	swait.ge [sflag:s24], $0x1F8  }
0x4e: {  	[sflag:s24] =	ssyncset.done $0x0  }
0x4f: {  	[sflag:s24] =	ssyncadd.s32 $0xFFFFFE08  }
0x50: {  	[tilespmem:s25], [sflag:$0x1] =	stream.indirect.gather [spmem:s2], $0x80, s18, s21, $0xb8;
	[tilespmem:$0x1FF20] =	vst v63  }
0x51: {  	_ =	swait.ge [sflag:s23], $0xFC00  }
0x52: {  	[sflag:s23] =	ssyncset.done $0x0  }
0x53: {  	[sflag:s23] =	ssyncadd.s32 $0xFFFF0400  }
0x54: {  	[hbm4b:s12+s3] =	stream.linear.scatter [tilespmem:s25], [sflag:$0x5], $0xFC00, $0x38;
	[tilespmem:$0x1FF20] =	vst v63  }
0x55: {  	s31 =	simm.s32 $0x0;
	s30 =	smov.u32 s15  }
0x56: {  	[tilespmem:s18], [sflag:$0x3] =	stream.linear.gather [hbm4b:s13+s3], $0x1F8, $0x38;
	[tilespmem:$0x1FF20] =	vst v63  }
.LBB2_2:
0x57: {  	_ =	swait.ge [sflag:s20], $0x1F8  }
0x58: {  	[sflag:s20] =	ssyncset.done $0x0  }
0x59: {  	[sflag:s20] =	ssyncadd.s32 $0xFFFFFE08  }
0x5a: {  	_ =	swait.ge [sflag:s26], $0xFC00  }
0x5b: {  	[sflag:s26] =	ssyncset.done $0x0  }
0x5c: {  	[sflag:s26] =	ssyncadd.s32 $0xFFFF0400  }
0x5d: {  	[tilespmem:s22], [sflag:$0x1] =	stream.indirect.gather [spmem:s2], $0x80, s17, s21, $0xb8;
	[tilespmem:$0x1FF20] =	vst v63  }
0x5e: {  	_ =	swait.ge [sflag:s23], $0xFC00  }
0x5f: {  	[sflag:s23] =	ssyncset.done $0x0  }
0x60: {  	s1 =	sadd.s32 $0xFFFC1000, s30;
	[sflag:s23] =	ssyncadd.s32 $0xFFFF0400  }
0x61: {  	[hbm4b:s1+s3] =	stream.linear.scatter [tilespmem:s22], [sflag:$0x4], $0xFC00, $0x38;
	[tilespmem:$0x1FF20] =	vst v63  }
0x62: {  	s4 =	sadd.s32 s31, s16  }
0x63: {  	[tilespmem:s17], [sflag:$0x2] =	stream.linear.gather [hbm4b:s4+s3], $0x1F8, $0x38;
	[tilespmem:$0x1FF20] =	vst v63  }
0x64: {  	_ =	swait.ge [sflag:s24], $0x1F8  }
0x65: {  	[sflag:s24] =	ssyncset.done $0x0  }
0x66: {  	[sflag:s24] =	ssyncadd.s32 $0xFFFFFE08  }
0x67: {  	_ =	swait.ge [sflag:s28], $0xFC00  }
0x68: {  	[sflag:s28] =	ssyncset.done $0x0  }
0x69: {  	p2 =	seq.s32 s31, $0xCCC0;
	[sflag:s28] =	ssyncadd.s32 $0xFFFF0400  }
0x6a: {  	[tilespmem:s25], [sflag:$0x1] =	stream.indirect.gather [spmem:s2], $0x80, s18, s21, $0xb8;
	[tilespmem:$0x1FF20] =	vst v63  }
.Ltmp2:
0x6b: {  	_ = 	snop;
	(pc) =	sbr.rel @p2 .LBB2_4-.Ltmp2, $4  }
0x6c: {  	_ =	swait.ge [sflag:s23], $0xFC00  }
0x6d: {  	[sflag:s23] =	ssyncset.done $0x0  }
0x6e: {  	[sflag:s23] =	ssyncadd.s32 $0xFFFF0400  }
0x6f: {  	[hbm4b:s30+s3] =	stream.linear.scatter [tilespmem:s25], [sflag:$0x5], $0xFC00, $0x38;
	[tilespmem:$0x1FF20] =	vst v63  }
.Ltmp3:
0x70: {  	(pc) =	sbr.rel .LBB2_2-.Ltmp3, $3  }
0x71: {  	_ =	sdelay $0x1  }
0x72: {  	s1 =	sadd.s32 s31, s14;
	s31 =	sadd.s32 $0xFC0, s31;
	s30 =	sadd.s32 $0x7E000, s30  }
0x73: {  	[tilespmem:s18], [sflag:$0x3] =	stream.linear.gather [hbm4b:s1+s3], $0x1F8, $0x38;
	[tilespmem:$0x1FF20] =	vst v63  }
.LBB2_5:
0x74: {  	_ =	sfence.sel $0x180000  }
0x75: {  	[bflag:$0x0] =	sbarrier.arrive $0xFFFF  }
0x76: {  	_ =	strace $0x90000047  }
0x77: {  	[bflag:$0x2] =	sbarrier.arrive $0xFFFF  }
0x78: {  	s0 =	rddreg [dreg:$0x4]  }
0x79: {  	s0 =	sadd.s32 @!p0 $0x100000, s0  }
0x7a: {  	[sflag:s0] =	ssyncadd.tile.s32 @!p0 $0x1;
	_ =	shalt  }
.Lfunc_end2:
_tile_overlayer_lowered:
.L_overlay_start_2:
0x7b: {  	(tag) =	ssettag $0x2  }
0x7c: {  	s0 =	rddreg [dreg:$0x0];
	s2 =	stileid.u32  }
0x7d: {  	s1 =	rddreg [dreg:$0x1];
	p0 =	sne.s32 s2, $0x0  }
0x7e: {  	s3 =	rddreg [dreg:$0x2];
	[bflag:$0x3] =	sbarrier.arrive $0xFFFF;
	s2 =	simm.s32 @!p0 $0x1C06  }
0x7f: {  	[timem:s3], [sflag:s2] =	dma.local @!p0 [hbm:s0], s1  }
0x80: {  	s0 =	simm.s32 @!p0 $0x6  }
0x81: {  	_ =	swait.ge @!p0 [sflag:s0], s1  }
0x82: {  	s1 =	ssub.s32 @!p0 $0x0, s1;
	[sflag:s0] =	ssyncset.done @!p0 $0x0  }
0x83: {  	[sflag:s0] =	ssyncadd.s32 @!p0 s1  }
0x84: {  	[bflag:$0x3] =	sbarrier.arrive $0xFFFF  }
0x85: {  	_ =	shalt  }

</sc_bundles>
